<compile_context>
chip_gen: v7x
topology: tpu7x:2x2x1
jax: 0.10.2.dev20260603
libtpu: 0.0.44.dev20260713+nightly
codegen_flags: <defaults>
</compile_context>

<pallas_src>
import jax
import jax.numpy as jnp
from jax import lax
from jax.experimental import pallas as pl
from jax.experimental.pallas import tpu as pltpu
from jax.experimental.pallas import tpu_sc as plsc

_N = 10000
_E = 320000
_DIN = 128
_D1 = 128
_D2 = 64
_D = _D1 + _D2
_DG = 128

_NC, _NS, _L = 2, 16, 16
_NW = _NC * _NS
_NPAD = 10240
_RPT = _NPAD // _NS
_C = 80

_EPD = _E // _NW
_NCHD = _EPD // _C
_EPA = _E // _NS
_NCHA = _EPA // _C

_RB = 400

_mesh = plsc.VectorSubcoreMesh(
    core_axis_name="c", subcore_axis_name="s", num_cores=_NC, num_subcores=_NS
)


def _deg_body(row_hbm, w_hbm, out_hbm, idx_v, w_v, buf_v, deg_sp):
    c = lax.axis_index("c")
    s = lax.axis_index("s")
    wid = c * _NS + s
    for k in range(_RPT // _L):
        buf_v[pl.ds(k * _L, _L)] = jnp.zeros((_L,), jnp.float32)
    off = pl.multiple_of(s * _RPT, 8)
    pltpu.sync_copy(buf_v, deg_sp.at[pl.ds(off, _RPT)])
    plsc.subcore_barrier()

    def step(i, carry):
        base = pl.multiple_of(wid * _EPD + i * _C, 8)
        pltpu.sync_copy(row_hbm.at[pl.ds(base, _C)], idx_v)
        pltpu.sync_copy(w_hbm.at[pl.ds(base, _C)], w_v)
        pltpu.sync_copy(w_v, deg_sp.at[idx_v], add=True)
        return carry

    lax.fori_loop(0, _NCHD, step, 0)
    plsc.subcore_barrier()
    pltpu.sync_copy(deg_sp.at[pl.ds(off, _RPT)], out_hbm.at[c, pl.ds(off, _RPT)])


@jax.jit
def _deg_call(row, w):
    f = pl.kernel(
        _deg_body,
        out_type=jax.ShapeDtypeStruct((_NC, _NPAD), jnp.float32),
        mesh=_mesh,
        scratch_types=[
            pltpu.VMEM((_C,), jnp.int32),
            pltpu.VMEM((_C,), jnp.float32),
            pltpu.VMEM((_RPT,), jnp.float32),
            pltpu.VMEM_SHARED((_NPAD,), jnp.float32),
        ],
    )
    return f(row, w)


def _prep_body(x_ref, w_ref, dp0_ref, dp1_ref, g_ref, dinv_ref):
    deg = 1.0 + dp0_ref[...] + dp1_ref[...]
    dinv = lax.rsqrt(deg)
    h = jnp.dot(x_ref[...], w_ref[...], preferred_element_type=jnp.float32)
    g = h * dinv
    g_ref[0, ...] = g[:, :_D1]
    g_ref[1, ...] = jnp.concatenate(
        [g[:, _D1:], jnp.zeros((_RB, _DG - _D2), jnp.float32)], axis=1
    )
    dinv_ref[...] = dinv


@jax.jit
def _prep_call(x, wcat, dp0, dp1):
    grid = (_N // _RB,)
    return pl.pallas_call(
        _prep_body,
        grid=grid,
        in_specs=[
            pl.BlockSpec((_RB, _DIN), lambda i: (i, 0)),
            pl.BlockSpec((_DIN, _D), lambda i: (0, 0)),
            pl.BlockSpec((_RB, 1), lambda i: (i, 0)),
            pl.BlockSpec((_RB, 1), lambda i: (i, 0)),
        ],
        out_specs=[
            pl.BlockSpec((_NC, _RB, _DG), lambda i: (0, i, 0)),
            pl.BlockSpec((_RB, 1), lambda i: (i, 0)),
        ],
        out_shape=[
            jax.ShapeDtypeStruct((_NC, _N, _DG), jnp.float32),
            jax.ShapeDtypeStruct((_N, 1), jnp.float32),
        ],
    )(x, wcat, dp0, dp1)


def _agg_body(row_hbm, col_hbm, w_hbm, g_hbm, out_hbm,
              ridx_v, cidx_v, w_v, rows_v, acc_sp, sem):
    c = lax.axis_index("c")
    s = lax.axis_index("s")

    def zrow(j, carry):
        for k in range(_DG // _L):
            rows_v[j, pl.ds(k * _L, _L)] = jnp.zeros((_L,), jnp.float32)
        return carry

    lax.fori_loop(0, _C, zrow, 0)
    for t in range(_RPT // _C):
        off = pl.multiple_of(s * _RPT + t * _C, 8)
        pltpu.sync_copy(rows_v, acc_sp.at[pl.ds(off, _C)])
    plsc.subcore_barrier()

    def step(i, carry):
        base = pl.multiple_of(s * _EPA + i * _C, 8)
        pltpu.sync_copy(row_hbm.at[pl.ds(base, _C)], ridx_v)
        pltpu.sync_copy(col_hbm.at[pl.ds(base, _C)], cidx_v)
        pltpu.sync_copy(w_hbm.at[pl.ds(base, _C)], w_v)
        pltpu.async_copy(g_hbm.at[c].at[ridx_v], rows_v, sem).wait()

        def scale(jj, cc):
            wv = w_v[pl.ds(jj * _L, _L)]
            for t in range(_L):
                j = jj * _L + t
                wj = wv[t]
                for k in range(_DG // _L):
                    rows_v[j, pl.ds(k * _L, _L)] = (
                        rows_v[j, pl.ds(k * _L, _L)] * wj
                    )
            return cc

        lax.fori_loop(0, _C // _L, scale, 0)
        pltpu.sync_copy(rows_v, acc_sp.at[cidx_v], add=True)
        return carry

    lax.fori_loop(0, _NCHA, step, 0)
    plsc.subcore_barrier()

    def wb(t, carry):
        r0 = pl.multiple_of(s * _RPT + t * _C, 8)
        pltpu.sync_copy(acc_sp.at[pl.ds(r0, _C)], rows_v)
        pltpu.sync_copy(rows_v, out_hbm.at[c, pl.ds(r0, _C)])
        return carry

    lax.fori_loop(0, _RPT // _C, wb, 0)


@jax.jit
def _agg_call(row, col, w, g):
    f = pl.kernel(
        _agg_body,
        out_type=jax.ShapeDtypeStruct((_NC, _NPAD, _DG), jnp.float32),
        mesh=_mesh,
        scratch_types=[
            pltpu.VMEM((_C,), jnp.int32),
            pltpu.VMEM((_C,), jnp.int32),
            pltpu.VMEM((_C,), jnp.float32),
            pltpu.VMEM((_C, _DG), jnp.float32),
            pltpu.VMEM_SHARED((_NPAD, _DG), jnp.float32),
            pltpu.SemaphoreType.DMA,
        ],
    )
    return f(row, col, w, g)


def _softplus(y):
    return jnp.maximum(y, 0.0) + jnp.log(1.0 + jnp.exp(-jnp.abs(y))) + 1e-10


def _kl_sum(mean, std):
    return jnp.sum(-jnp.log(std) + 0.5 * (std * std + mean * mean) - 0.5,
                   axis=1, keepdims=True)


def _fin_body(pa_ref, pb_ref, g_ref, dinv_ref, b1_ref, b2_ref,
              out2_ref, ixz1_ref, ixz2_ref):
    dinv = dinv_ref[...]
    of1 = (pa_ref[...] + g_ref[0, ...]) * dinv + b1_ref[...]
    m1 = of1[:, : _D1 // 2]
    s1 = _softplus(of1[:, _D1 // 2:])
    ixz1_ref[...] = _kl_sum(m1, s1)
    of2 = ((pb_ref[...] + g_ref[1, ...]) * dinv)[:, :_D2] + b2_ref[...]
    m2 = of2[:, : _D2 // 2]
    s2 = _softplus(of2[:, _D2 // 2:])
    ixz2_ref[...] = _kl_sum(m2, s2)
    out2_ref[...] = of2


@jax.jit
def _fin_call(pa, pb, g, dinv, b1r, b2r):
    grid = (_N // _RB,)
    return pl.pallas_call(
        _fin_body,
        grid=grid,
        in_specs=[
            pl.BlockSpec((_RB, _DG), lambda i: (i, 0)),
            pl.BlockSpec((_RB, _DG), lambda i: (i, 0)),
            pl.BlockSpec((_NC, _RB, _DG), lambda i: (0, i, 0)),
            pl.BlockSpec((_RB, 1), lambda i: (i, 0)),
            pl.BlockSpec((1, _D1), lambda i: (0, 0)),
            pl.BlockSpec((1, _D2), lambda i: (0, 0)),
        ],
        out_specs=[
            pl.BlockSpec((_RB, _D2), lambda i: (i, 0)),
            pl.BlockSpec((_RB, 1), lambda i: (i, 0)),
            pl.BlockSpec((_RB, 1), lambda i: (i, 0)),
        ],
        out_shape=[
            jax.ShapeDtypeStruct((_N, _D2), jnp.float32),
            jax.ShapeDtypeStruct((_N, 1), jnp.float32),
            jax.ShapeDtypeStruct((_N, 1), jnp.float32),
        ],
    )(pa, pb, g, dinv, b1r, b2r)


def kernel(x, edge_index, edge_weight, W1, b1, W2, b2):
    row = edge_index[0]
    col = edge_index[1]
    wcat = jnp.concatenate([W1, W2], axis=1)
    b1r = b1.reshape(1, _D1)
    b2r = b2.reshape(1, _D2)

    deg_part = _deg_call(row, edge_weight)
    dp0 = deg_part[0, :_N].reshape(_N, 1)
    dp1 = deg_part[1, :_N].reshape(_N, 1)
    g, dinv = _prep_call(x, wcat, dp0, dp1)
    part = _agg_call(row, col, edge_weight, g)
    out2, ixz1, ixz2 = _fin_call(part[0, :_N], part[1, :_N], g, dinv, b1r, b2r)
    return out2, ixz1.reshape(_N), ixz2.reshape(_N), jnp.zeros(())

# --- scband reference (transcript-rebuilt; emitter-appended) ---
"""Pipeline reference for scband-gibgcn-4071628996670 (READ-ONLY COPY).

The authoritative reference and input builder live on the scoring server;
editing this copy changes nothing except your own understanding.
"""

import jax, jax.numpy as jnp
import numpy as np

N = 10000
E = 320000
D_IN = 128
D_LATENT = 128
D_OUT = 64


def setup_inputs(seed: int = 0) -> dict:
    key = jax.random.key(seed)
    k1, k2, k3, k4, k5 = jax.random.split(key, 5)
    x = jax.random.normal(k1, (N, D_IN), dtype=jnp.float32)
    edge_index = jax.random.randint(k2, (2, E), 0, N, dtype=jnp.int32)
    edge_weight = jax.random.uniform(k3, (E,), dtype=jnp.float32)
    W1 = jax.random.normal(k4, (D_IN, D_LATENT), dtype=jnp.float32) / np.sqrt(D_IN)
    b1 = jnp.zeros((D_LATENT,), jnp.float32)
    W2 = jax.random.normal(k5, (D_LATENT, D_OUT), dtype=jnp.float32) / np.sqrt(D_LATENT)
    b2 = jnp.zeros((D_OUT,), jnp.float32)
    return {"x": x, "edge_index": edge_index, "edge_weight": edge_weight,
            "W1": W1, "b1": b1, "W2": W2, "b2": b2}


def _gcn_norm(edge_index, edge_weight, num_nodes):
    # add self loops with weight 1.0 (improved=False)
    loop = jnp.arange(num_nodes, dtype=edge_index.dtype)
    row = jnp.concatenate([edge_index[0], loop])
    col = jnp.concatenate([edge_index[1], loop])
    w = jnp.concatenate([edge_weight, jnp.ones((num_nodes,), edge_weight.dtype)])
    deg = jnp.zeros((num_nodes,), w.dtype).at[row].add(w)
    dinv = jax.lax.rsqrt(deg)  # deg >= 1 due to self loops
    norm = dinv[row] * w * dinv[col]
    return row, col, norm


def _gcn_conv(x, row, col, norm, W, b, num_nodes):
    h = x @ W
    msg = jnp.take(h, row, axis=0) * norm[:, None]
    out = jnp.zeros((num_nodes, h.shape[1]), h.dtype).at[col].add(msg)
    return out + b


def _kl_std_normal(mean, std):
    # KL( N(mean, std) || N(0, 1) ) elementwise
    return -jnp.log(std) + 0.5 * (std ** 2 + mean ** 2) - 0.5


def _reparam_stats(out):
    c = out.shape[-1] // 2
    mean = out[:, :c]
    std = jax.nn.softplus(out[:, c:]) + 1e-10
    ixz = _kl_std_normal(mean, std).sum(-1)
    return ixz


def reference(x, edge_index, edge_weight, W1, b1, W2, b2):
    num_nodes = x.shape[0]
    row, col, norm = _gcn_norm(edge_index, edge_weight, num_nodes)
    # conv1 (reparam_mode='diag', prior_mode='Gaussian'): ixz via KL to standard normal
    out1 = _gcn_conv(x, row, col, norm, W1, b1, num_nodes)
    ixz1 = _reparam_stats(out1)
    # Faithful to the module's forward: the ORIGINAL x (not conv1 output) is fed to conv2
    out2 = _gcn_conv(x, row, col, norm, W2, b2, num_nodes)
    ixz2 = _reparam_stats(out2)
    # eval mode with val_use_mean=True: out = out[:, :out_channels] (full out)
    structure_kl = jnp.zeros(())
    return (out2, ixz1, ixz2, structure_kl)

if __name__ == "__main__":
    import jax
    _d = setup_inputs()
    print(jax.jit(kernel)(*tuple(_d.values())))

</pallas_src>

<mosaic_0001>
#map = affine_map<(d0, d1) -> (0)>
#map1 = affine_map<(d0, d1) -> (0, 0)>
module attributes {stable_mosaic.version = 14 : i64} {
  func.func @_deg_body(%arg0: i32, %arg1: i32, %arg2: memref<320000xi32, #tpu.memory_space<hbm>>, %arg3: memref<320000xf32, #tpu.memory_space<hbm>>, %arg4: memref<2x10240xf32, #tpu.memory_space<hbm>>, %arg5: memref<80xi32, #tpu.memory_space<vmem>>, %arg6: memref<80xf32, #tpu.memory_space<vmem>>, %arg7: memref<640xf32, #tpu.memory_space<vmem>>, %arg8: memref<10240xf32, #tpu.memory_space<vmem_shared>>) attributes {dimension_semantics = [#tpu.dimension_semantics<core_parallel>, #tpu.dimension_semantics<subcore_parallel>], iteration_bounds = array<i64: 2, 16>, scalar_prefetch = 0 : i64, scratch_operands = 4 : i64, tpu.core_type = #tpu.core_type<sc_vector_subcore>, window_params = [{transform_indices = #map}, {transform_indices = #map}, {transform_indices = #map1}]} {
    %mul3A = arith.constant 16 : i32
    %mul3A_0 = arith.muli %arg0, %mul3A : i32
    %add3A = arith.addi %mul3A_0, %arg1 : i32
    %broadcast_in_dim3A = arith.constant 0.000000e+00 : f32
    %broadcast_in_dim3A_1 = vector.broadcast %broadcast_in_dim3A : f32 to vector<16xf32>
    %swap3A = arith.constant 0 : index
    %swap3A_2 = tpu.vector_load %arg7[%swap3A] {strides = array<i32>} : memref<640xf32, #tpu.memory_space<vmem>>, vector<16xf32>,
    %swap3A_3 = vector.shape_cast %swap3A_2 : vector<16xf32> to vector<16xf32>
    %swap3A_4 = vector.shape_cast %broadcast_in_dim3A_1 : vector<16xf32> to vector<16xf32>
    tpu.vector_store %arg7[%swap3A], %swap3A_4 {strides = array<i32>} : memref<640xf32, #tpu.memory_space<vmem>>, vector<16xf32>,
    %broadcast_in_dim3A_5 = arith.constant 0.000000e+00 : f32
    %broadcast_in_dim3A_6 = vector.broadcast %broadcast_in_dim3A_5 : f32 to vector<16xf32>
    %swap3A_7 = arith.constant 16 : index
    %swap3A_8 = tpu.vector_load %arg7[%swap3A_7] {strides = array<i32>} : memref<640xf32, #tpu.memory_space<vmem>>, vector<16xf32>,
    %swap3A_9 = vector.shape_cast %swap3A_8 : vector<16xf32> to vector<16xf32>
    %swap3A_10 = vector.shape_cast %broadcast_in_dim3A_6 : vector<16xf32> to vector<16xf32>
    tpu.vector_store %arg7[%swap3A_7], %swap3A_10 {strides = array<i32>} : memref<640xf32, #tpu.memory_space<vmem>>, vector<16xf32>,
    %broadcast_in_dim3A_11 = arith.constant 0.000000e+00 : f32
    %broadcast_in_dim3A_12 = vector.broadcast %broadcast_in_dim3A_11 : f32 to vector<16xf32>
    %swap3A_13 = arith.constant 32 : index
    %swap3A_14 = tpu.vector_load %arg7[%swap3A_13] {strides = array<i32>} : memref<640xf32, #tpu.memory_space<vmem>>, vector<16xf32>,
    %swap3A_15 = vector.shape_cast %swap3A_14 : vector<16xf32> to vector<16xf32>
    %swap3A_16 = vector.shape_cast %broadcast_in_dim3A_12 : vector<16xf32> to vector<16xf32>
    tpu.vector_store %arg7[%swap3A_13], %swap3A_16 {strides = array<i32>} : memref<640xf32, #tpu.memory_space<vmem>>, vector<16xf32>,
    %broadcast_in_dim3A_17 = arith.constant 0.000000e+00 : f32
    %broadcast_in_dim3A_18 = vector.broadcast %broadcast_in_dim3A_17 : f32 to vector<16xf32>
    %swap3A_19 = arith.constant 48 : index
    %swap3A_20 = tpu.vector_load %arg7[%swap3A_19] {strides = array<i32>} : memref<640xf32, #tpu.memory_space<vmem>>, vector<16xf32>,
    %swap3A_21 = vector.shape_cast %swap3A_20 : vector<16xf32> to vector<16xf32>
    %swap3A_22 = vector.shape_cast %broadcast_in_dim3A_18 : vector<16xf32> to vector<16xf32>
    tpu.vector_store %arg7[%swap3A_19], %swap3A_22 {strides = array<i32>} : memref<640xf32, #tpu.memory_space<vmem>>, vector<16xf32>,
    %broadcast_in_dim3A_23 = arith.constant 0.000000e+00 : f32
    %broadcast_in_dim3A_24 = vector.broadcast %broadcast_in_dim3A_23 : f32 to vector<16xf32>
    %swap3A_25 = arith.constant 64 : index
    %swap3A_26 = tpu.vector_load %arg7[%swap3A_25] {strides = array<i32>} : memref<640xf32, #tpu.memory_space<vmem>>, vector<16xf32>,
    %swap3A_27 = vector.shape_cast %swap3A_26 : vector<16xf32> to vector<16xf32>
    %swap3A_28 = vector.shape_cast %broadcast_in_dim3A_24 : vector<16xf32> to vector<16xf32>
    tpu.vector_store %arg7[%swap3A_25], %swap3A_28 {strides = array<i32>} : memref<640xf32, #tpu.memory_space<vmem>>, vector<16xf32>,
    %broadcast_in_dim3A_29 = arith.constant 0.000000e+00 : f32
    %broadcast_in_dim3A_30 = vector.broadcast %broadcast_in_dim3A_29 : f32 to vector<16xf32>
    %swap3A_31 = arith.constant 80 : index
    %swap3A_32 = tpu.vector_load %arg7[%swap3A_31] {strides = array<i32>} : memref<640xf32, #tpu.memory_space<vmem>>, vector<16xf32>,
    %swap3A_33 = vector.shape_cast %swap3A_32 : vector<16xf32> to vector<16xf32>
    %swap3A_34 = vector.shape_cast %broadcast_in_dim3A_30 : vector<16xf32> to vector<16xf32>
    tpu.vector_store %arg7[%swap3A_31], %swap3A_34 {strides = array<i32>} : memref<640xf32, #tpu.memory_space<vmem>>, vector<16xf32>,
    %broadcast_in_dim3A_35 = arith.constant 0.000000e+00 : f32
    %broadcast_in_dim3A_36 = vector.broadcast %broadcast_in_dim3A_35 : f32 to vector<16xf32>
    %swap3A_37 = arith.constant 96 : index
    %swap3A_38 = tpu.vector_load %arg7[%swap3A_37] {strides = array<i32>} : memref<640xf32, #tpu.memory_space<vmem>>, vector<16xf32>,
    %swap3A_39 = vector.shape_cast %swap3A_38 : vector<16xf32> to vector<16xf32>
    %swap3A_40 = vector.shape_cast %broadcast_in_dim3A_36 : vector<16xf32> to vector<16xf32>
    tpu.vector_store %arg7[%swap3A_37], %swap3A_40 {strides = array<i32>} : memref<640xf32, #tpu.memory_space<vmem>>, vector<16xf32>,
    %broadcast_in_dim3A_41 = arith.constant 0.000000e+00 : f32
    %broadcast_in_dim3A_42 = vector.broadcast %broadcast_in_dim3A_41 : f32 to vector<16xf32>
    %swap3A_43 = arith.constant 112 : index
    %swap3A_44 = tpu.vector_load %arg7[%swap3A_43] {strides = array<i32>} : memref<640xf32, #tpu.memory_space<vmem>>, vector<16xf32>,
    %swap3A_45 = vector.shape_cast %swap3A_44 : vector<16xf32> to vector<16xf32>
    %swap3A_46 = vector.shape_cast %broadcast_in_dim3A_42 : vector<16xf32> to vector<16xf32>
    tpu.vector_store %arg7[%swap3A_43], %swap3A_46 {strides = array<i32>} : memref<640xf32, #tpu.memory_space<vmem>>, vector<16xf32>,
    %broadcast_in_dim3A_47 = arith.constant 0.000000e+00 : f32
    %broadcast_in_dim3A_48 = vector.broadcast %broadcast_in_dim3A_47 : f32 to vector<16xf32>
    %swap3A_49 = arith.constant 128 : index
    %swap3A_50 = tpu.vector_load %arg7[%swap3A_49] {strides = array<i32>} : memref<640xf32, #tpu.memory_space<vmem>>, vector<16xf32>,
    %swap3A_51 = vector.shape_cast %swap3A_50 : vector<16xf32> to vector<16xf32>
    %swap3A_52 = vector.shape_cast %broadcast_in_dim3A_48 : vector<16xf32> to vector<16xf32>
    tpu.vector_store %arg7[%swap3A_49], %swap3A_52 {strides = array<i32>} : memref<640xf32, #tpu.memory_space<vmem>>, vector<16xf32>,
    %broadcast_in_dim3A_53 = arith.constant 0.000000e+00 : f32
    %broadcast_in_dim3A_54 = vector.broadcast %broadcast_in_dim3A_53 : f32 to vector<16xf32>
    %swap3A_55 = arith.constant 144 : index
    %swap3A_56 = tpu.vector_load %arg7[%swap3A_55] {strides = array<i32>} : memref<640xf32, #tpu.memory_space<vmem>>, vector<16xf32>,
    %swap3A_57 = vector.shape_cast %swap3A_56 : vector<16xf32> to vector<16xf32>
    %swap3A_58 = vector.shape_cast %broadcast_in_dim3A_54 : vector<16xf32> to vector<16xf32>
    tpu.vector_store %arg7[%swap3A_55], %swap3A_58 {strides = array<i32>} : memref<640xf32, #tpu.memory_space<vmem>>, vector<16xf32>,
    %broadcast_in_dim3A_59 = arith.constant 0.000000e+00 : f32
    %broadcast_in_dim3A_60 = vector.broadcast %broadcast_in_dim3A_59 : f32 to vector<16xf32>
    %swap3A_61 = arith.constant 160 : index
    %swap3A_62 = tpu.vector_load %arg7[%swap3A_61] {strides = array<i32>} : memref<640xf32, #tpu.memory_space<vmem>>, vector<16xf32>,
    %swap3A_63 = vector.shape_cast %swap3A_62 : vector<16xf32> to vector<16xf32>
    %swap3A_64 = vector.shape_cast %broadcast_in_dim3A_60 : vector<16xf32> to vector<16xf32>
    tpu.vector_store %arg7[%swap3A_61], %swap3A_64 {strides = array<i32>} : memref<640xf32, #tpu.memory_space<vmem>>, vector<16xf32>,
    %broadcast_in_dim3A_65 = arith.constant 0.000000e+00 : f32
    %broadcast_in_dim3A_66 = vector.broadcast %broadcast_in_dim3A_65 : f32 to vector<16xf32>
    %swap3A_67 = arith.constant 176 : index
    %swap3A_68 = tpu.vector_load %arg7[%swap3A_67] {strides = array<i32>} : memref<640xf32, #tpu.memory_space<vmem>>, vector<16xf32>,
    %swap3A_69 = vector.shape_cast %swap3A_68 : vector<16xf32> to vector<16xf32>
    %swap3A_70 = vector.shape_cast %broadcast_in_dim3A_66 : vector<16xf32> to vector<16xf32>
    tpu.vector_store %arg7[%swap3A_67], %swap3A_70 {strides = array<i32>} : memref<640xf32, #tpu.memory_space<vmem>>, vector<16xf32>,
    %broadcast_in_dim3A_71 = arith.constant 0.000000e+00 : f32
    %broadcast_in_dim3A_72 = vector.broadcast %broadcast_in_dim3A_71 : f32 to vector<16xf32>
    %swap3A_73 = arith.constant 192 : index
    %swap3A_74 = tpu.vector_load %arg7[%swap3A_73] {strides = array<i32>} : memref<640xf32, #tpu.memory_space<vmem>>, vector<16xf32>,
    %swap3A_75 = vector.shape_cast %swap3A_74 : vector<16xf32> to vector<16xf32>
    %swap3A_76 = vector.shape_cast %broadcast_in_dim3A_72 : vector<16xf32> to vector<16xf32>
    tpu.vector_store %arg7[%swap3A_73], %swap3A_76 {strides = array<i32>} : memref<640xf32, #tpu.memory_space<vmem>>, vector<16xf32>,
    %broadcast_in_dim3A_77 = arith.constant 0.000000e+00 : f32
    %broadcast_in_dim3A_78 = vector.broadcast %broadcast_in_dim3A_77 : f32 to vector<16xf32>
    %swap3A_79 = arith.constant 208 : index
    %swap3A_80 = tpu.vector_load %arg7[%swap3A_79] {strides = array<i32>} : memref<640xf32, #tpu.memory_space<vmem>>, vector<16xf32>,
    %swap3A_81 = vector.shape_cast %swap3A_80 : vector<16xf32> to vector<16xf32>
    %swap3A_82 = vector.shape_cast %broadcast_in_dim3A_78 : vector<16xf32> to vector<16xf32>
    tpu.vector_store %arg7[%swap3A_79], %swap3A_82 {strides = array<i32>} : memref<640xf32, #tpu.memory_space<vmem>>, vector<16xf32>,
    %broadcast_in_dim3A_83 = arith.constant 0.000000e+00 : f32
    %broadcast_in_dim3A_84 = vector.broadcast %broadcast_in_dim3A_83 : f32 to vector<16xf32>
    %swap3A_85 = arith.constant 224 : index
    %swap3A_86 = tpu.vector_load %arg7[%swap3A_85] {strides = array<i32>} : memref<640xf32, #tpu.memory_space<vmem>>, vector<16xf32>,
    %swap3A_87 = vector.shape_cast %swap3A_86 : vector<16xf32> to vector<16xf32>
    %swap3A_88 = vector.shape_cast %broadcast_in_dim3A_84 : vector<16xf32> to vector<16xf32>
    tpu.vector_store %arg7[%swap3A_85], %swap3A_88 {strides = array<i32>} : memref<640xf32, #tpu.memory_space<vmem>>, vector<16xf32>,
    %broadcast_in_dim3A_89 = arith.constant 0.000000e+00 : f32
    %broadcast_in_dim3A_90 = vector.broadcast %broadcast_in_dim3A_89 : f32 to vector<16xf32>
    %swap3A_91 = arith.constant 240 : index
    %swap3A_92 = tpu.vector_load %arg7[%swap3A_91] {strides = array<i32>} : memref<640xf32, #tpu.memory_space<vmem>>, vector<16xf32>,
    %swap3A_93 = vector.shape_cast %swap3A_92 : vector<16xf32> to vector<16xf32>
    %swap3A_94 = vector.shape_cast %broadcast_in_dim3A_90 : vector<16xf32> to vector<16xf32>
    tpu.vector_store %arg7[%swap3A_91], %swap3A_94 {strides = array<i32>} : memref<640xf32, #tpu.memory_space<vmem>>, vector<16xf32>,
    %broadcast_in_dim3A_95 = arith.constant 0.000000e+00 : f32
    %broadcast_in_dim3A_96 = vector.broadcast %broadcast_in_dim3A_95 : f32 to vector<16xf32>
    %swap3A_97 = arith.constant 256 : index
    %swap3A_98 = tpu.vector_load %arg7[%swap3A_97] {strides = array<i32>} : memref<640xf32, #tpu.memory_space<vmem>>, vector<16xf32>,
    %swap3A_99 = vector.shape_cast %swap3A_98 : vector<16xf32> to vector<16xf32>
    %swap3A_100 = vector.shape_cast %broadcast_in_dim3A_96 : vector<16xf32> to vector<16xf32>
    tpu.vector_store %arg7[%swap3A_97], %swap3A_100 {strides = array<i32>} : memref<640xf32, #tpu.memory_space<vmem>>, vector<16xf32>,
    %broadcast_in_dim3A_101 = arith.constant 0.000000e+00 : f32
    %broadcast_in_dim3A_102 = vector.broadcast %broadcast_in_dim3A_101 : f32 to vector<16xf32>
    %swap3A_103 = arith.constant 272 : index
    %swap3A_104 = tpu.vector_load %arg7[%swap3A_103] {strides = array<i32>} : memref<640xf32, #tpu.memory_space<vmem>>, vector<16xf32>,
    %swap3A_105 = vector.shape_cast %swap3A_104 : vector<16xf32> to vector<16xf32>
    %swap3A_106 = vector.shape_cast %broadcast_in_dim3A_102 : vector<16xf32> to vector<16xf32>
    tpu.vector_store %arg7[%swap3A_103], %swap3A_106 {strides = array<i32>} : memref<640xf32, #tpu.memory_space<vmem>>, vector<16xf32>,
    %broadcast_in_dim3A_107 = arith.constant 0.000000e+00 : f32
    %broadcast_in_dim3A_108 = vector.broadcast %broadcast_in_dim3A_107 : f32 to vector<16xf32>
    %swap3A_109 = arith.constant 288 : index
    %swap3A_110 = tpu.vector_load %arg7[%swap3A_109] {strides = array<i32>} : memref<640xf32, #tpu.memory_space<vmem>>, vector<16xf32>,
    %swap3A_111 = vector.shape_cast %swap3A_110 : vector<16xf32> to vector<16xf32>
    %swap3A_112 = vector.shape_cast %broadcast_in_dim3A_108 : vector<16xf32> to vector<16xf32>
    tpu.vector_store %arg7[%swap3A_109], %swap3A_112 {strides = array<i32>} : memref<640xf32, #tpu.memory_space<vmem>>, vector<16xf32>,
    %broadcast_in_dim3A_113 = arith.constant 0.000000e+00 : f32
    %broadcast_in_dim3A_114 = vector.broadcast %broadcast_in_dim3A_113 : f32 to vector<16xf32>
    %swap3A_115 = arith.constant 304 : index
    %swap3A_116 = tpu.vector_load %arg7[%swap3A_115] {strides = array<i32>} : memref<640xf32, #tpu.memory_space<vmem>>, vector<16xf32>,
    %swap3A_117 = vector.shape_cast %swap3A_116 : vector<16xf32> to vector<16xf32>
    %swap3A_118 = vector.shape_cast %broadcast_in_dim3A_114 : vector<16xf32> to vector<16xf32>
    tpu.vector_store %arg7[%swap3A_115], %swap3A_118 {strides = array<i32>} : memref<640xf32, #tpu.memory_space<vmem>>, vector<16xf32>,
    %broadcast_in_dim3A_119 = arith.constant 0.000000e+00 : f32
    %broadcast_in_dim3A_120 = vector.broadcast %broadcast_in_dim3A_119 : f32 to vector<16xf32>
    %swap3A_121 = arith.constant 320 : index
    %swap3A_122 = tpu.vector_load %arg7[%swap3A_121] {strides = array<i32>} : memref<640xf32, #tpu.memory_space<vmem>>, vector<16xf32>,
    %swap3A_123 = vector.shape_cast %swap3A_122 : vector<16xf32> to vector<16xf32>
    %swap3A_124 = vector.shape_cast %broadcast_in_dim3A_120 : vector<16xf32> to vector<16xf32>
    tpu.vector_store %arg7[%swap3A_121], %swap3A_124 {strides = array<i32>} : memref<640xf32, #tpu.memory_space<vmem>>, vector<16xf32>,
    %broadcast_in_dim3A_125 = arith.constant 0.000000e+00 : f32
    %broadcast_in_dim3A_126 = vector.broadcast %broadcast_in_dim3A_125 : f32 to vector<16xf32>
    %swap3A_127 = arith.constant 336 : index
    %swap3A_128 = tpu.vector_load %arg7[%swap3A_127] {strides = array<i32>} : memref<640xf32, #tpu.memory_space<vmem>>, vector<16xf32>,
    %swap3A_129 = vector.shape_cast %swap3A_128 : vector<16xf32> to vector<16xf32>
    %swap3A_130 = vector.shape_cast %broadcast_in_dim3A_126 : vector<16xf32> to vector<16xf32>
    tpu.vector_store %arg7[%swap3A_127], %swap3A_130 {strides = array<i32>} : memref<640xf32, #tpu.memory_space<vmem>>, vector<16xf32>,
    %broadcast_in_dim3A_131 = arith.constant 0.000000e+00 : f32
    %broadcast_in_dim3A_132 = vector.broadcast %broadcast_in_dim3A_131 : f32 to vector<16xf32>
    %swap3A_133 = arith.constant 352 : index
    %swap3A_134 = tpu.vector_load %arg7[%swap3A_133] {strides = array<i32>} : memref<640xf32, #tpu.memory_space<vmem>>, vector<16xf32>,
    %swap3A_135 = vector.shape_cast %swap3A_134 : vector<16xf32> to vector<16xf32>
    %swap3A_136 = vector.shape_cast %broadcast_in_dim3A_132 : vector<16xf32> to vector<16xf32>
    tpu.vector_store %arg7[%swap3A_133], %swap3A_136 {strides = array<i32>} : memref<640xf32, #tpu.memory_space<vmem>>, vector<16xf32>,
    %broadcast_in_dim3A_137 = arith.constant 0.000000e+00 : f32
    %broadcast_in_dim3A_138 = vector.broadcast %broadcast_in_dim3A_137 : f32 to vector<16xf32>
    %swap3A_139 = arith.constant 368 : index
    %swap3A_140 = tpu.vector_load %arg7[%swap3A_139] {strides = array<i32>} : memref<640xf32, #tpu.memory_space<vmem>>, vector<16xf32>,
    %swap3A_141 = vector.shape_cast %swap3A_140 : vector<16xf32> to vector<16xf32>
    %swap3A_142 = vector.shape_cast %broadcast_in_dim3A_138 : vector<16xf32> to vector<16xf32>
    tpu.vector_store %arg7[%swap3A_139], %swap3A_142 {strides = array<i32>} : memref<640xf32, #tpu.memory_space<vmem>>, vector<16xf32>,
    %broadcast_in_dim3A_143 = arith.constant 0.000000e+00 : f32
    %broadcast_in_dim3A_144 = vector.broadcast %broadcast_in_dim3A_143 : f32 to vector<16xf32>
    %swap3A_145 = arith.constant 384 : index
    %swap3A_146 = tpu.vector_load %arg7[%swap3A_145] {strides = array<i32>} : memref<640xf32, #tpu.memory_space<vmem>>, vector<16xf32>,
    %swap3A_147 = vector.shape_cast %swap3A_146 : vector<16xf32> to vector<16xf32>
    %swap3A_148 = vector.shape_cast %broadcast_in_dim3A_144 : vector<16xf32> to vector<16xf32>
    tpu.vector_store %arg7[%swap3A_145], %swap3A_148 {strides = array<i32>} : memref<640xf32, #tpu.memory_space<vmem>>, vector<16xf32>,
    %broadcast_in_dim3A_149 = arith.constant 0.000000e+00 : f32
    %broadcast_in_dim3A_150 = vector.broadcast %broadcast_in_dim3A_149 : f32 to vector<16xf32>
    %swap3A_151 = arith.constant 400 : index
    %swap3A_152 = tpu.vector_load %arg7[%swap3A_151] {strides = array<i32>} : memref<640xf32, #tpu.memory_space<vmem>>, vector<16xf32>,
    %swap3A_153 = vector.shape_cast %swap3A_152 : vector<16xf32> to vector<16xf32>
    %swap3A_154 = vector.shape_cast %broadcast_in_dim3A_150 : vector<16xf32> to vector<16xf32>
    tpu.vector_store %arg7[%swap3A_151], %swap3A_154 {strides = array<i32>} : memref<640xf32, #tpu.memory_space<vmem>>, vector<16xf32>,
    %broadcast_in_dim3A_155 = arith.constant 0.000000e+00 : f32
    %broadcast_in_dim3A_156 = vector.broadcast %broadcast_in_dim3A_155 : f32 to vector<16xf32>
    %swap3A_157 = arith.constant 416 : index
    %swap3A_158 = tpu.vector_load %arg7[%swap3A_157] {strides = array<i32>} : memref<640xf32, #tpu.memory_space<vmem>>, vector<16xf32>,
    %swap3A_159 = vector.shape_cast %swap3A_158 : vector<16xf32> to vector<16xf32>
    %swap3A_160 = vector.shape_cast %broadcast_in_dim3A_156 : vector<16xf32> to vector<16xf32>
    tpu.vector_store %arg7[%swap3A_157], %swap3A_160 {strides = array<i32>} : memref<640xf32, #tpu.memory_space<vmem>>, vector<16xf32>,
    %broadcast_in_dim3A_161 = arith.constant 0.000000e+00 : f32
    %broadcast_in_dim3A_162 = vector.broadcast %broadcast_in_dim3A_161 : f32 to vector<16xf32>
    %swap3A_163 = arith.constant 432 : index
    %swap3A_164 = tpu.vector_load %arg7[%swap3A_163] {strides = array<i32>} : memref<640xf32, #tpu.memory_space<vmem>>, vector<16xf32>,
    %swap3A_165 = vector.shape_cast %swap3A_164 : vector<16xf32> to vector<16xf32>
    %swap3A_166 = vector.shape_cast %broadcast_in_dim3A_162 : vector<16xf32> to vector<16xf32>
    tpu.vector_store %arg7[%swap3A_163], %swap3A_166 {strides = array<i32>} : memref<640xf32, #tpu.memory_space<vmem>>, vector<16xf32>,
    %broadcast_in_dim3A_167 = arith.constant 0.000000e+00 : f32
    %broadcast_in_dim3A_168 = vector.broadcast %broadcast_in_dim3A_167 : f32 to vector<16xf32>
    %swap3A_169 = arith.constant 448 : index
    %swap3A_170 = tpu.vector_load %arg7[%swap3A_169] {strides = array<i32>} : memref<640xf32, #tpu.memory_space<vmem>>, vector<16xf32>,
    %swap3A_171 = vector.shape_cast %swap3A_170 : vector<16xf32> to vector<16xf32>
    %swap3A_172 = vector.shape_cast %broadcast_in_dim3A_168 : vector<16xf32> to vector<16xf32>
    tpu.vector_store %arg7[%swap3A_169], %swap3A_172 {strides = array<i32>} : memref<640xf32, #tpu.memory_space<vmem>>, vector<16xf32>,
    %broadcast_in_dim3A_173 = arith.constant 0.000000e+00 : f32
    %broadcast_in_dim3A_174 = vector.broadcast %broadcast_in_dim3A_173 : f32 to vector<16xf32>
    %swap3A_175 = arith.constant 464 : index
    %swap3A_176 = tpu.vector_load %arg7[%swap3A_175] {strides = array<i32>} : memref<640xf32, #tpu.memory_space<vmem>>, vector<16xf32>,
    %swap3A_177 = vector.shape_cast %swap3A_176 : vector<16xf32> to vector<16xf32>
    %swap3A_178 = vector.shape_cast %broadcast_in_dim3A_174 : vector<16xf32> to vector<16xf32>
    tpu.vector_store %arg7[%swap3A_175], %swap3A_178 {strides = array<i32>} : memref<640xf32, #tpu.memory_space<vmem>>, vector<16xf32>,
    %broadcast_in_dim3A_179 = arith.constant 0.000000e+00 : f32
    %broadcast_in_dim3A_180 = vector.broadcast %broadcast_in_dim3A_179 : f32 to vector<16xf32>
    %swap3A_181 = arith.constant 480 : index
    %swap3A_182 = tpu.vector_load %arg7[%swap3A_181] {strides = array<i32>} : memref<640xf32, #tpu.memory_space<vmem>>, vector<16xf32>,
    %swap3A_183 = vector.shape_cast %swap3A_182 : vector<16xf32> to vector<16xf32>
    %swap3A_184 = vector.shape_cast %broadcast_in_dim3A_180 : vector<16xf32> to vector<16xf32>
    tpu.vector_store %arg7[%swap3A_181], %swap3A_184 {strides = array<i32>} : memref<640xf32, #tpu.memory_space<vmem>>, vector<16xf32>,
    %broadcast_in_dim3A_185 = arith.constant 0.000000e+00 : f32
    %broadcast_in_dim3A_186 = vector.broadcast %broadcast_in_dim3A_185 : f32 to vector<16xf32>
    %swap3A_187 = arith.constant 496 : index
    %swap3A_188 = tpu.vector_load %arg7[%swap3A_187] {strides = array<i32>} : memref<640xf32, #tpu.memory_space<vmem>>, vector<16xf32>,
    %swap3A_189 = vector.shape_cast %swap3A_188 : vector<16xf32> to vector<16xf32>
    %swap3A_190 = vector.shape_cast %broadcast_in_dim3A_186 : vector<16xf32> to vector<16xf32>
    tpu.vector_store %arg7[%swap3A_187], %swap3A_190 {strides = array<i32>} : memref<640xf32, #tpu.memory_space<vmem>>, vector<16xf32>,
    %broadcast_in_dim3A_191 = arith.constant 0.000000e+00 : f32
    %broadcast_in_dim3A_192 = vector.broadcast %broadcast_in_dim3A_191 : f32 to vector<16xf32>
    %swap3A_193 = arith.constant 512 : index
    %swap3A_194 = tpu.vector_load %arg7[%swap3A_193] {strides = array<i32>} : memref<640xf32, #tpu.memory_space<vmem>>, vector<16xf32>,
    %swap3A_195 = vector.shape_cast %swap3A_194 : vector<16xf32> to vector<16xf32>
    %swap3A_196 = vector.shape_cast %broadcast_in_dim3A_192 : vector<16xf32> to vector<16xf32>
    tpu.vector_store %arg7[%swap3A_193], %swap3A_196 {strides = array<i32>} : memref<640xf32, #tpu.memory_space<vmem>>, vector<16xf32>,
    %broadcast_in_dim3A_197 = arith.constant 0.000000e+00 : f32
    %broadcast_in_dim3A_198 = vector.broadcast %broadcast_in_dim3A_197 : f32 to vector<16xf32>
    %swap3A_199 = arith.constant 528 : index
    %swap3A_200 = tpu.vector_load %arg7[%swap3A_199] {strides = array<i32>} : memref<640xf32, #tpu.memory_space<vmem>>, vector<16xf32>,
    %swap3A_201 = vector.shape_cast %swap3A_200 : vector<16xf32> to vector<16xf32>
    %swap3A_202 = vector.shape_cast %broadcast_in_dim3A_198 : vector<16xf32> to vector<16xf32>
    tpu.vector_store %arg7[%swap3A_199], %swap3A_202 {strides = array<i32>} : memref<640xf32, #tpu.memory_space<vmem>>, vector<16xf32>,
    %broadcast_in_dim3A_203 = arith.constant 0.000000e+00 : f32
    %broadcast_in_dim3A_204 = vector.broadcast %broadcast_in_dim3A_203 : f32 to vector<16xf32>
    %swap3A_205 = arith.constant 544 : index
    %swap3A_206 = tpu.vector_load %arg7[%swap3A_205] {strides = array<i32>} : memref<640xf32, #tpu.memory_space<vmem>>, vector<16xf32>,
    %swap3A_207 = vector.shape_cast %swap3A_206 : vector<16xf32> to vector<16xf32>
    %swap3A_208 = vector.shape_cast %broadcast_in_dim3A_204 : vector<16xf32> to vector<16xf32>
    tpu.vector_store %arg7[%swap3A_205], %swap3A_208 {strides = array<i32>} : memref<640xf32, #tpu.memory_space<vmem>>, vector<16xf32>,
    %broadcast_in_dim3A_209 = arith.constant 0.000000e+00 : f32
    %broadcast_in_dim3A_210 = vector.broadcast %broadcast_in_dim3A_209 : f32 to vector<16xf32>
    %swap3A_211 = arith.constant 560 : index
    %swap3A_212 = tpu.vector_load %arg7[%swap3A_211] {strides = array<i32>} : memref<640xf32, #tpu.memory_space<vmem>>, vector<16xf32>,
    %swap3A_213 = vector.shape_cast %swap3A_212 : vector<16xf32> to vector<16xf32>
    %swap3A_214 = vector.shape_cast %broadcast_in_dim3A_210 : vector<16xf32> to vector<16xf32>
    tpu.vector_store %arg7[%swap3A_211], %swap3A_214 {strides = array<i32>} : memref<640xf32, #tpu.memory_space<vmem>>, vector<16xf32>,
    %broadcast_in_dim3A_215 = arith.constant 0.000000e+00 : f32
    %broadcast_in_dim3A_216 = vector.broadcast %broadcast_in_dim3A_215 : f32 to vector<16xf32>
    %swap3A_217 = arith.constant 576 : index
    %swap3A_218 = tpu.vector_load %arg7[%swap3A_217] {strides = array<i32>} : memref<640xf32, #tpu.memory_space<vmem>>, vector<16xf32>,
    %swap3A_219 = vector.shape_cast %swap3A_218 : vector<16xf32> to vector<16xf32>
    %swap3A_220 = vector.shape_cast %broadcast_in_dim3A_216 : vector<16xf32> to vector<16xf32>
    tpu.vector_store %arg7[%swap3A_217], %swap3A_220 {strides = array<i32>} : memref<640xf32, #tpu.memory_space<vmem>>, vector<16xf32>,
    %broadcast_in_dim3A_221 = arith.constant 0.000000e+00 : f32
    %broadcast_in_dim3A_222 = vector.broadcast %broadcast_in_dim3A_221 : f32 to vector<16xf32>
    %swap3A_223 = arith.constant 592 : index
    %swap3A_224 = tpu.vector_load %arg7[%swap3A_223] {strides = array<i32>} : memref<640xf32, #tpu.memory_space<vmem>>, vector<16xf32>,
    %swap3A_225 = vector.shape_cast %swap3A_224 : vector<16xf32> to vector<16xf32>
    %swap3A_226 = vector.shape_cast %broadcast_in_dim3A_222 : vector<16xf32> to vector<16xf32>
    tpu.vector_store %arg7[%swap3A_223], %swap3A_226 {strides = array<i32>} : memref<640xf32, #tpu.memory_space<vmem>>, vector<16xf32>,
    %broadcast_in_dim3A_227 = arith.constant 0.000000e+00 : f32
    %broadcast_in_dim3A_228 = vector.broadcast %broadcast_in_dim3A_227 : f32 to vector<16xf32>
    %swap3A_229 = arith.constant 608 : index
    %swap3A_230 = tpu.vector_load %arg7[%swap3A_229] {strides = array<i32>} : memref<640xf32, #tpu.memory_space<vmem>>, vector<16xf32>,
    %swap3A_231 = vector.shape_cast %swap3A_230 : vector<16xf32> to vector<16xf32>
    %swap3A_232 = vector.shape_cast %broadcast_in_dim3A_228 : vector<16xf32> to vector<16xf32>
    tpu.vector_store %arg7[%swap3A_229], %swap3A_232 {strides = array<i32>} : memref<640xf32, #tpu.memory_space<vmem>>, vector<16xf32>,
    %broadcast_in_dim3A_233 = arith.constant 0.000000e+00 : f32
    %broadcast_in_dim3A_234 = vector.broadcast %broadcast_in_dim3A_233 : f32 to vector<16xf32>
    %swap3A_235 = arith.constant 624 : index
    %swap3A_236 = tpu.vector_load %arg7[%swap3A_235] {strides = array<i32>} : memref<640xf32, #tpu.memory_space<vmem>>, vector<16xf32>,
    %swap3A_237 = vector.shape_cast %swap3A_236 : vector<16xf32> to vector<16xf32>
    %swap3A_238 = vector.shape_cast %broadcast_in_dim3A_234 : vector<16xf32> to vector<16xf32>
    tpu.vector_store %arg7[%swap3A_235], %swap3A_238 {strides = array<i32>} : memref<640xf32, #tpu.memory_space<vmem>>, vector<16xf32>,
    %mul3A_239 = arith.constant 640 : i32
    %mul3A_240 = arith.muli %arg1, %mul3A_239 : i32
    %multiple_of3A = tpu.assume_multiple %mul3A_240, 8 : i32
    "tpu.region"() ({
      %run_scoped3A = tpu.sem_alloc : memref<!tpu.dma_semaphore, #tpu.memory_space<semaphore_mem>>
      %dma_start3A = tpu.memref_slice %arg8[%multiple_of3A] : memref<10240xf32, #tpu.memory_space<vmem_shared>> -> memref<640xf32, #tpu.memory_space<vmem_shared>>
      %dma_start3A_247 = tpu.memref_slice %arg8[%multiple_of3A] : memref<10240xf32, #tpu.memory_space<vmem_shared>> -> memref<640xf32, #tpu.memory_space<vmem_shared>>
      tpu.enqueue_dma source(%arg7 : memref<640xf32, #tpu.memory_space<vmem>>) target(%dma_start3A_247 : memref<640xf32, #tpu.memory_space<vmem_shared>>) target_semaphore(%run_scoped3A : memref<!tpu.dma_semaphore, #tpu.memory_space<semaphore_mem>>)
      %dma_wait3A = tpu.memref_slice %arg8[%multiple_of3A] : memref<10240xf32, #tpu.memory_space<vmem_shared>> -> memref<640xf32, #tpu.memory_space<vmem_shared>>
      %dma_wait3A_248 = tpu.memref_slice %arg8[%multiple_of3A] : memref<10240xf32, #tpu.memory_space<vmem_shared>> -> memref<640xf32, #tpu.memory_space<vmem_shared>>
      tpu.wait_dma2 semaphore(%run_scoped3A : memref<!tpu.dma_semaphore, #tpu.memory_space<semaphore_mem>>) src(%arg7 : memref<640xf32, #tpu.memory_space<vmem>>) dst(%dma_wait3A_248 : memref<640xf32, #tpu.memory_space<vmem_shared>>)
      tpu.yield
    }) : () -> ()
    %barrier3A = arith.constant 0 : index
    tpu.barrier barrier_id(%barrier3A)
    %scan3A = arith.constant 0 : i32
    %scan3A_241 = arith.constant 0 : i32
    %scan3A_242 = arith.constant 125 : i32
    %scan3A_243 = arith.addi %scan3A_241, %scan3A_242 : i32
    %scan3A_244 = arith.constant 1 : i32
    scf.for %scan3A_247 = %scan3A_241 to %scan3A_243 step %scan3A_244  : i32 {
      %mul3A_248 = arith.constant 10000 : i32
      %mul3A_249 = arith.muli %add3A, %mul3A_248 : i32
      %mul3A_250 = arith.constant 80 : i32
      %mul3A_251 = arith.muli %scan3A_247, %mul3A_250 : i32
      %add3A_252 = arith.addi %mul3A_249, %mul3A_251 : i32
      %multiple_of3A_253 = tpu.assume_multiple %add3A_252, 8 : i32
      "tpu.region"() ({
        %run_scoped3A = tpu.sem_alloc : memref<!tpu.dma_semaphore, #tpu.memory_space<semaphore_mem>>
        %dma_start3A = tpu.memref_slice %arg2[%multiple_of3A_253] : memref<320000xi32, #tpu.memory_space<hbm>> -> memref<80xi32, #tpu.memory_space<hbm>>
        %dma_start3A_254 = tpu.memref_slice %arg2[%multiple_of3A_253] : memref<320000xi32, #tpu.memory_space<hbm>> -> memref<80xi32, #tpu.memory_space<hbm>>
        tpu.enqueue_dma source(%dma_start3A_254 : memref<80xi32, #tpu.memory_space<hbm>>) target(%arg5 : memref<80xi32, #tpu.memory_space<vmem>>) target_semaphore(%run_scoped3A : memref<!tpu.dma_semaphore, #tpu.memory_space<semaphore_mem>>)
        %dma_wait3A = tpu.memref_slice %arg2[%multiple_of3A_253] : memref<320000xi32, #tpu.memory_space<hbm>> -> memref<80xi32, #tpu.memory_space<hbm>>
        %dma_wait3A_255 = tpu.memref_slice %arg2[%multiple_of3A_253] : memref<320000xi32, #tpu.memory_space<hbm>> -> memref<80xi32, #tpu.memory_space<hbm>>
        tpu.wait_dma2 semaphore(%run_scoped3A : memref<!tpu.dma_semaphore, #tpu.memory_space<semaphore_mem>>) src(%dma_wait3A_255 : memref<80xi32, #tpu.memory_space<hbm>>) dst(%arg5 : memref<80xi32, #tpu.memory_space<vmem>>)
        tpu.yield
      }) : () -> ()
      "tpu.region"() ({
        %run_scoped3A = tpu.sem_alloc : memref<!tpu.dma_semaphore, #tpu.memory_space<semaphore_mem>>
        %dma_start3A = tpu.memref_slice %arg3[%multiple_of3A_253] : memref<320000xf32, #tpu.memory_space<hbm>> -> memref<80xf32, #tpu.memory_space<hbm>>
        %dma_start3A_254 = tpu.memref_slice %arg3[%multiple_of3A_253] : memref<320000xf32, #tpu.memory_space<hbm>> -> memref<80xf32, #tpu.memory_space<hbm>>
        tpu.enqueue_dma source(%dma_start3A_254 : memref<80xf32, #tpu.memory_space<hbm>>) target(%arg6 : memref<80xf32, #tpu.memory_space<vmem>>) target_semaphore(%run_scoped3A : memref<!tpu.dma_semaphore, #tpu.memory_space<semaphore_mem>>)
        %dma_wait3A = tpu.memref_slice %arg3[%multiple_of3A_253] : memref<320000xf32, #tpu.memory_space<hbm>> -> memref<80xf32, #tpu.memory_space<hbm>>
        %dma_wait3A_255 = tpu.memref_slice %arg3[%multiple_of3A_253] : memref<320000xf32, #tpu.memory_space<hbm>> -> memref<80xf32, #tpu.memory_space<hbm>>
        tpu.wait_dma2 semaphore(%run_scoped3A : memref<!tpu.dma_semaphore, #tpu.memory_space<semaphore_mem>>) src(%dma_wait3A_255 : memref<80xf32, #tpu.memory_space<hbm>>) dst(%arg6 : memref<80xf32, #tpu.memory_space<vmem>>)
        tpu.yield
      }) : () -> ()
      "tpu.region"() ({
        %run_scoped3A = tpu.sem_alloc : memref<!tpu.dma_semaphore, #tpu.memory_space<semaphore_mem>>
        %dma_start3A = arith.constant 0 : i32
        %dma_start3A_254 = tpu.memref_slice %arg8[%dma_start3A] : memref<10240xf32, #tpu.memory_space<vmem_shared>> -> memref<10240xf32, #tpu.memory_space<vmem_shared>>
        tpu.enqueue_indirect_dma source(%arg6 : memref<80xf32, #tpu.memory_space<vmem>>) target(%dma_start3A_254 : memref<10240xf32, #tpu.memory_space<vmem_shared>>) offsets(%arg5 : memref<80xi32, #tpu.memory_space<vmem>>) semaphore(%run_scoped3A : memref<!tpu.dma_semaphore, #tpu.memory_space<semaphore_mem>>) {add = true}
        %dma_wait3A = arith.constant 0 : i32
        %dma_wait3A_255 = tpu.memref_slice %arg8[%dma_wait3A] : memref<10240xf32, #tpu.memory_space<vmem_shared>> -> memref<10240xf32, #tpu.memory_space<vmem_shared>>
        tpu.wait_indirect_dma semaphore(%run_scoped3A : memref<!tpu.dma_semaphore, #tpu.memory_space<semaphore_mem>>) src(%arg6 : memref<80xf32, #tpu.memory_space<vmem>>) dst(%dma_wait3A_255 : memref<10240xf32, #tpu.memory_space<vmem_shared>>)
        tpu.yield
      }) : () -> ()
    }
    %scan3A_245 = arith.constant 125 : i32
    %barrier3A_246 = arith.constant 0 : index
    tpu.barrier barrier_id(%barrier3A_246)
    "tpu.region"() ({
      %run_scoped3A = tpu.sem_alloc : memref<!tpu.dma_semaphore, #tpu.memory_space<semaphore_mem>>
      %dma_start3A = tpu.memref_slice %arg4[%arg0, %multiple_of3A] : memref<2x10240xf32, #tpu.memory_space<hbm>> -> memref<1x640xf32, #tpu.memory_space<hbm>>
      %dma_start3A_247 = tpu.memref_squeeze %dma_start3A : memref<1x640xf32, #tpu.memory_space<hbm>> -> memref<640xf32, #tpu.memory_space<hbm>>
      %dma_start3A_248 = tpu.memref_slice %arg8[%multiple_of3A] : memref<10240xf32, #tpu.memory_space<vmem_shared>> -> memref<640xf32, #tpu.memory_space<vmem_shared>>
      tpu.enqueue_dma source(%dma_start3A_248 : memref<640xf32, #tpu.memory_space<vmem_shared>>) target(%dma_start3A_247 : memref<640xf32, #tpu.memory_space<hbm>>) target_semaphore(%run_scoped3A : memref<!tpu.dma_semaphore, #tpu.memory_space<semaphore_mem>>)
      %dma_wait3A = tpu.memref_slice %arg4[%arg0, %multiple_of3A] : memref<2x10240xf32, #tpu.memory_space<hbm>> -> memref<1x640xf32, #tpu.memory_space<hbm>>
      %dma_wait3A_249 = tpu.memref_squeeze %dma_wait3A : memref<1x640xf32, #tpu.memory_space<hbm>> -> memref<640xf32, #tpu.memory_space<hbm>>
      %dma_wait3A_250 = tpu.memref_slice %arg8[%multiple_of3A] : memref<10240xf32, #tpu.memory_space<vmem_shared>> -> memref<640xf32, #tpu.memory_space<vmem_shared>>
      tpu.wait_dma2 semaphore(%run_scoped3A : memref<!tpu.dma_semaphore, #tpu.memory_space<semaphore_mem>>) src(%dma_wait3A_250 : memref<640xf32, #tpu.memory_space<vmem_shared>>) dst(%dma_wait3A_249 : memref<640xf32, #tpu.memory_space<hbm>>)
      tpu.yield
    }) : () -> ()
    return
  }
}

</mosaic_0001>

<sc_bundles>
// kernel: _deg_call.3.cloned.1.call-start
scs
__scs_entry_jumppad:
0x0: {  	(pc) =	sbr.rel $0x88, $3  }
0x1: {  	(tag) =	ssettag $0x0;
	lr =	simm.s32 $0x1  }
0x2: {  	[smem:$0x3F9F] =	sst lr;
	_ =	strace $0xD0000000  }
0x3: {  	_ = 	snop  }
0x4: {  	_ = 	snop  }
0x5: {  	_ = 	snop  }
0x6: {  	_ = 	snop  }
0x7: {  	_ = 	snop  }
__scs_overlays_trampoline_lowered:
0x8: {  	[smem:$0x3FAE] =	sst s0  }
0x9: {  	[smem:$0x3FAF] =	sst s1  }
0xa: {  	[smem:$0x3FB0] =	sst s2  }
0xb: {  	[smem:$0x3FB1] =	sst s3  }
0xc: {  	[smem:$0x3FB2] =	sst s4  }
0xd: {  	[smem:$0x3FB3] =	sst s5  }
0xe: {  	[smem:$0x3FB4] =	sst s6  }
0xf: {  	[smem:$0x3FB5] =	sst s7  }
0x10: {  	[smem:$0x3FB6] =	sst s8  }
0x11: {  	[smem:$0x3FB7] =	sst s9;
	s0 =	simm.s32 @!p0 $0x0  }
0x12: {  	s1 =	sld [smem:$0x3F9D];
	s0 =	simm.s32 @p0 $0x1  }
0x13: {  	[smem:$0x3FB8] =	sst s0;
	s0 =	simm.s32 @!p1 $0x0  }
0x14: {  	s2 =	sld [smem:$0x3F9C];
	s0 =	simm.s32 @p1 $0x1  }
0x15: {  	[smem:$0x3FB9] =	sst s0;
	s0 =	simm.s32 @!p2 $0x0  }
0x16: {  	s3 =	sld [smem:$0x3FDB];
	s0 =	simm.s32 @p2 $0x1  }
0x17: {  	s4 =	simm.s32 $0x1BF5;
	[smem:$0x3FBB] =	sst s0  }
0x18: {  	s0 =	sld [smem:$0x3F9E];
	_ =	swait.ge [sflag:s4], $0x0  }
0x19: {  	s7 =	sld [smem:$0x3F9F]  }
0x1a: {  	s8 =	sadd.s32 $0xFFFFE003, lr  }
0x1b: {  	s9 =	sadd.s32 $0xFFFFFEF7, lr;
	s5 =	simm.s32 $0xFFFFFFFF;
	p2 =	slt.u32 s8, $0xFFFFF086  }
0x1c: {  	p1 =	slt.u32 s9, $0xF7A;
	s5 =	simm.s32 @!p2 $0x0  }
0x1d: {  	s5 =	simm.s32 @p1 $0x1;
	p0 =	seq.s32 s7, s2  }
0x1e: {  	s7 =	smul.u32 @!p0 $0xF7A, s2;
	p2 =	seq.s32 @!p0 s5, $0x0  }
0x1f: {  	s9 =	smul.u32 $0xF7A, s1;
	s8 =	simm.s32 @!p0 $0x1BF5;
	p2 =	por !p2, p0  }
0x20: {  	[sflag:s8] =	ssyncset.s32 @!p0 $0xFFFFF086;
	s6 =	sadd.s32 @!p0 s3, s7;
	s7 =	simm.s32 @!p0 $0x108  }
0x21: {  	s3 =	sadd.s32 s3, s9;
	s6 =	sadd.s32 @!p0 $0x88, s6;
	s7 =	simm.s32 @p2 $0x1082  }
0x22: {  	[simem:s7], [sflag:s8] =	dma.local @!p0 [hbm:s6], $0xF7A  }
0x23: {  	s9 =	sor.u32 $0xD0000000, s2;
	s6 =	simm.s32 $0x108;
	_ =	swait.ge @!p0 [sflag:s8], $0x0  }
0x24: {  	s3 =	sadd.s32 $0x88, s3;
	s6 =	simm.s32 @!p1 $0x1082;
	[sflag:s4] =	ssyncset.s32 $0xFFFFF086  }
0x25: {  	[simem:s6], [sflag:s4] =	dma.local [hbm:s3], $0xF7A  }
0x26: {  	[smem:$0x3F9F] =	sst s1;
	(tag) =	ssettag s2;
	_ =	strace s9  }
0x27: {  	s1 =	sld [smem:$0x3FAF]  }
0x28: {  	s2 =	sld [smem:$0x3FB0]  }
0x29: {  	s4 =	sld [smem:$0x3FB2]  }
0x2a: {  	p0 =	seq.s32 s5, $0x0;
	s5 =	sld [smem:$0x3FB3]  }
0x2b: {  	s6 =	sld [smem:$0x3FB4]  }
0x2c: {  	s7 =	sld [smem:$0x3FB5]  }
0x2d: {  	s3 =	simm.s32 $0x108;
	s8 =	sld [smem:$0x3FB6]  }
0x2e: {  	s3 =	simm.s32 @!p0 $0x1082;
	s9 =	sld [smem:$0x3FB7]  }
0x2f: {  	lr =	sadd.s32 s0, s3;
	s0 =	sld [smem:$0x3FAE]  }
0x30: {  	s3 =	sld [smem:$0x3FB1]  }
0x31: {  	[smem:$0x3FBA] =	sst s10  }
0x32: {  	s10 =	sld [smem:$0x3FB8];
	_ =	sdelay $0x3  }
0x33: {  	p0 =	seq.s32 s10, $0x1;
	s10 =	sld [smem:$0x3FBA];
	_ =	sdelay $0x3  }
0x34: {  	[smem:$0x3FBA] =	sst s10  }
0x35: {  	s10 =	sld [smem:$0x3FB9];
	_ =	sdelay $0x3  }
0x36: {  	p1 =	seq.s32 s10, $0x1;
	s10 =	sld [smem:$0x3FBA];
	_ =	sdelay $0x3  }
0x37: {  	[smem:$0x3FBA] =	sst s10  }
0x38: {  	s10 =	sld [smem:$0x3FBB]  }
0x39: {  	_ = 	snop;
	(pc) =	sbr.ind lr, $3  }
0x3a: {  	_ = 	snop  }
0x3b: {  	_ = 	snop  }
0x3c: {  	p2 =	seq.s32 s10, $0x1;
	s10 =	sld [smem:$0x3FBA]  }
0x3d: {  	_ =	shalt  }
0x3e: {  	_ =	shalt  }
0x3f: {  	_ =	shalt  }
0x40: {  	_ =	shalt  }
0x41: {  	_ =	shalt  }
0x42: {  	_ =	shalt  }
0x43: {  	_ =	shalt  }
0x44: {  	_ =	shalt  }
0x45: {  	_ =	shalt  }
0x46: {  	_ =	shalt  }
0x47: {  	_ =	shalt  }
0x48: {  	_ =	shalt  }
0x49: {  	_ =	shalt  }
0x4a: {  	_ =	shalt  }
0x4b: {  	_ =	shalt  }
0x4c: {  	_ =	shalt  }
0x4d: {  	_ =	shalt  }
0x4e: {  	_ =	shalt  }
0x4f: {  	_ =	shalt  }
0x50: {  	_ =	shalt  }
0x51: {  	_ =	shalt  }
0x52: {  	_ =	shalt  }
0x53: {  	_ =	shalt  }
0x54: {  	_ =	shalt  }
0x55: {  	_ =	shalt  }
0x56: {  	_ =	shalt  }
0x57: {  	_ =	shalt  }
0x58: {  	_ =	shalt  }
0x59: {  	_ =	shalt  }
0x5a: {  	_ =	shalt  }
0x5b: {  	_ =	shalt  }
0x5c: {  	_ =	shalt  }
0x5d: {  	_ =	shalt  }
0x5e: {  	_ =	shalt  }
0x5f: {  	_ =	shalt  }
0x60: {  	_ =	shalt  }
0x61: {  	_ =	shalt  }
0x62: {  	_ =	shalt  }
0x63: {  	_ =	shalt  }
0x64: {  	_ =	shalt  }
0x65: {  	_ =	shalt  }
0x66: {  	_ =	shalt  }
0x67: {  	_ =	shalt  }
0x68: {  	_ =	shalt  }
0x69: {  	_ =	shalt  }
0x6a: {  	_ =	shalt  }
0x6b: {  	_ =	shalt  }
0x6c: {  	_ =	shalt  }
0x6d: {  	_ =	shalt  }
0x6e: {  	_ =	shalt  }
0x6f: {  	_ =	shalt  }
0x70: {  	_ =	shalt  }
0x71: {  	_ =	shalt  }
0x72: {  	_ =	shalt  }
0x73: {  	_ =	shalt  }
0x74: {  	_ =	shalt  }
0x75: {  	_ =	shalt  }
0x76: {  	_ =	shalt  }
0x77: {  	_ =	shalt  }
0x78: {  	_ =	shalt  }
0x79: {  	_ =	shalt  }
0x7a: {  	_ =	shalt  }
0x7b: {  	_ =	shalt  }
0x7c: {  	_ =	shalt  }
0x7d: {  	_ =	shalt  }
0x7e: {  	_ =	shalt  }
0x7f: {  	_ =	shalt  }
0x80: {  	_ =	shalt  }
0x81: {  	_ =	shalt  }
0x82: {  	_ =	shalt  }
0x83: {  	_ =	shalt  }
0x84: {  	_ =	shalt  }
0x85: {  	_ =	shalt  }
0x86: {  	_ =	shalt  }
0x87: {  	_ =	shalt  }
.Lfunc_end0:
.L_simem_size_0:
called_computation_lowered:
.L_overlay_start_0:
0x88: {  	s2 =	sld [smem:$0x3FD9]  }
0x89: {  	s3 =	sld [smem:$0x3FFE];
	_ =	sdelay $0x1  }
0x8a: {  	s1 =	srdreg.scid  }
0x8b: {  	s0 =	sand.u32 $0x1, s1  }
0x8c: {  	s18 =	sshll.u32 s0, $0xA;
	s2 =	sadd.s32 s3, s2  }
0x8d: {  	s2 =	sadd.s32 s2, s18  }
0x8e: {  	[smem:$0x3FC6] =	sst s2  }
0x8f: {  	_ = 	snop  }
0x90: {  	s2 =	sld [smem:$0x3FC9]  }
0x91: {  	s19 =	sld [smem:$0x3FC8]  }
0x92: {  	s4 =	sld [smem:$0x3FD0];
	(tm) =	ssettm $0x1  }
0x93: {  	s5 =	sld [smem:$0x3FFB];
	_ =	sdelay $0x3  }
0x94: {  	_ =	strace s5  }
0x95: {  	s5 =	sld [smem:$0x3FFC];
	_ =	sdelay $0x3  }
0x96: {  	_ =	strace s5  }
0x97: {  	s5 =	sld [smem:$0x3FFD];
	_ =	sdelay $0x3  }
0x98: {  	_ =	strace s5  }
0x99: {  	_ =	strace $0x8FFFFFFF  }
0x9a: {  	s20 =	sld [smem:$0x3FDB];
	_ =	sdelay $0x1  }
0x9b: {  	s6 =	simm.s32 $_scs_section_size  }
0x9c: {  	s7 =	simm.s32 $_size__tile_overlayer_lowered;
	s8 =	simm.s32 $_tile_overlayer_lowered  }
0x9d: {  	s23 =	simm.s32 $0x1BFF;
	s22 =	sshll.u32 s8, $0x1;
	s5 =	sadd.s32 s6, s20  }
0x9e: {  	s9 =	simm.s32 $0x0;
	s21 =	sshll.u32 s7, $0x1;
	s7 =	sadd.s32 s22, s5  }
0x9f: {  	[timem:s9], [sflag:s23] =	dma.local [hbm:s7], s21  }
0xa0: {  	_ =	swait.ge [sflag:s23], s21  }
0xa1: {  	s6 =	ssub.s32 $0x0, s21;
	[sflag:s23] =	ssyncset.done $0x0  }
0xa2: {  	[sflag:s23] =	ssyncadd.s32 s6;
	_ =	sdelay $0x1  }
0xa3: {  	s24 =	simm.s32 $0x1B8B  }
0xa4: {  	_ =	swait.ge [sflag:s24], $0x1  }
0xa5: {  	[sflag:s24] =	ssyncset.done $0x0  }
0xa6: {  	s25 =	simm.s32 $0x1B8E;
	[sflag:s24] =	ssyncadd.s32 $0xFFFFFFFF  }
0xa7: {  	s26 =	simm.s32 $execute0_lowered;
	[smem:$0x3FD2] =	sst s25  }
0xa8: {  	s6 =	sshll.u32 s26, $0x1;
	_ =	strace $0x80000046;
	[dreg:$0x1] =	wrdreg $0xFFFFFFFF  }
0xa9: {  	s28 =	simm.s32 $_size_execute0_lowered;
	s5 =	sadd.s32 s5, s6;
	[dreg:$0x0] =	wrdreg $0x0  }
0xaa: {  	s6 =	sshll.u32 s28, $0x1;
	[dreg:$0x2] =	wrdreg s5  }
0xab: {  	[dreg:$0x3] =	wrdreg s6  }
0xac: {  	[dreg:$0x4] =	wrdreg $0xC0  }
0xad: {  	_ =	task [dreg:s9], $0x5FFFF  }
0xae: {  	[dreg:$0x1] =	wrdreg $0xFFFFFFFF  }
0xaf: {  	[dreg:$0x0] =	wrdreg $0x60  }
0xb0: {  	[dreg:$0x2] =	wrdreg s2  }
0xb1: {  	[dreg:$0x3] =	wrdreg s19  }
0xb2: {  	[dreg:$0x4] =	wrdreg s4  }
0xb3: {  	[dreg:$0x5] =	wrdreg $0x3800  }
0xb4: {  	[dreg:$0x6] =	wrdreg $0x9  }
0xb5: {  	_ =	task.clear_ibuf [dreg:s9], $0x7FFFF;
	_ =	strace $0x90000046  }
0xb6: {  	s29 =	simm.s32 $0x9;
	_ =	strace $0x80000048  }
0xb7: {  	_ =	swait.ge [sflag:s29], $0x1  }
0xb8: {  	[sflag:s29] =	ssyncadd.s32 $0xFFFFFFFF  }
0xb9: {  	_ =	strace $0x90000048  }
0xba: {  	_ =	sfence  }
0xbb: {  	s30 =	sld [smem:$0x0];
	_ =	sdelay $0x2  }
0xbc: {  	s31 =	sshll.u32 s1, $0xD;
	s1 =	sshrl.u32 s1, $0x2  }
0xbd: {  	s3 =	sand.u32 $0x4000, s31;
	s1 =	sadd.s32 s1, s30  }
0xbe: {  	s0 =	sor.u32 s3, s0;
	s1 =	sshll.u32 s1, $0x11  }
0xbf: {  	s0 =	sor.u32 s1, s0  }
0xc0: {  	s0 =	sadd.s32 $0x8F2B, s0  }
0xc1: {  	[sflag:s0] =	ssyncadd.remote.s32 $0x1  }
0xc2: {  	_ =	sfence.sel $0xFFFF  }
0xc3: {  	[dreg:$0x0] =	wrdreg $0xFFFFFFFF;
	(pc) =	sbr.abs _section_cstart, $3  }
0xc4: {  	[dreg:$0x1] =	wrdreg $0xFFFFFFFF  }
0xc5: {  	_ =	task.clear_ibuf [dreg:s9], $0x2FFFF;
	_ =	strace $0x9FFFFFFF  }
0xc6: {  	(tm) =	ssettm $0x7FFFFFFF  }
0xc7: {  	_ =	shalt  }
tec
execute0_lowered:
.L_overlay_start_1:
0x0: {  	(tag) =	ssettag $0x1  }
0x1: {  	s8 =	rddreg [dreg:$0x0]  }
0x2: {  	s7 =	rddreg [dreg:$0x1]  }
0x3: {  	s5 =	rddreg [dreg:$0x2]  }
0x4: {  	s2 =	rddreg [dreg:$0x3]  }
0x5: {  	s0 =	rddreg [dreg:$0x4];
	s1 =	stileid.u32  }
0x6: {  	s3 =	simm.s32 $0x0;
	s4 =	srdreg.scid;
	s15 =	simm.s32 $0x20  }
0x7: {  	s16 =	simm.s32 $0x10;
	s17 =	simm.s32 $0x0;
	s6 =	smul.u32 $0xA00, s1  }
0x8: {  	[smem:$0x7FF] =	sst s3;
	s4 =	sand.u32 $0x1, s4;
	s9 =	smul.u32 $0x500, s1  }
0x9: {  	s13 =	smul.u32 $0x2710, s1;
	s31 =	sshll.u32 s1, $0x6;
	_ =	strace $0x80000047  }
0xa: {  	s10 =	ssub.s32 $0x2, s4;
	s11 =	smul.u32 $0x27100, s4;
	s4 =	sshll.u32 s4, $0x7  }
0xb: {  	s12 =	sshrl.u32 s10, $0x1;
	s6 =	sshrl.u32 s6, $0x2;
	s9 =	sor.u32 s4, s9  }
0xc: {  	s10 =	ssub.s32 s10, s12;
	s4 =	sadd.s32 s6, s2;
	s29 =	sshrl.u32 s9, $0x3  }
0xd: {  	s30 =	sadd.s32 s13, s11;
	s11 =	simm.s32 $0x80;
	s12 =	simm.s32 $0x50  }
0xe: {  	s13 =	sor.u32 $0x1C01, s31;
	s5 =	sadd.s32 s5, s29;
	s6 =	smax.u32 s10, $0x1  }
0xf: {  	s9 =	sshrl.u32 s30, $0x3;
	s10 =	simm.s32 $0x1;
	s14 =	sshrl.u32 s4, $0x3  }
0x10: {  	v0 =	vimm.f32 $0.0e+00;
	s7 =	sadd.s32 s9, s7;
	s8 =	sadd.s32 s9, s8;
	s9 =	simm.s32 $0x100  }
.LBB2_1:
0x11: {  	[tilespmem:$0x100] =	vst v0  }
0x12: {  	[tilespmem:$0x110] =	vst v0  }
0x13: {  	[tilespmem:$0x120] =	vst v0  }
0x14: {  	[tilespmem:$0x130] =	vst v0  }
0x15: {  	[tilespmem:$0x140] =	vst v0  }
0x16: {  	[tilespmem:$0x150] =	vst v0  }
0x17: {  	[tilespmem:$0x160] =	vst v0  }
0x18: {  	[tilespmem:$0x170] =	vst v0  }
0x19: {  	[tilespmem:$0x180] =	vst v0  }
0x1a: {  	[tilespmem:$0x190] =	vst v0  }
0x1b: {  	[tilespmem:$0x1A0] =	vst v0  }
0x1c: {  	[tilespmem:$0x1B0] =	vst v0  }
0x1d: {  	[tilespmem:$0x1C0] =	vst v0  }
0x1e: {  	[tilespmem:$0x1D0] =	vst v0  }
0x1f: {  	[tilespmem:$0x1E0] =	vst v0  }
0x20: {  	[tilespmem:$0x1F0] =	vst v0  }
0x21: {  	[tilespmem:$0x200] =	vst v0  }
0x22: {  	[tilespmem:$0x210] =	vst v0  }
0x23: {  	[tilespmem:$0x220] =	vst v0  }
0x24: {  	[tilespmem:$0x230] =	vst v0  }
0x25: {  	[tilespmem:$0x240] =	vst v0  }
0x26: {  	[tilespmem:$0x250] =	vst v0  }
0x27: {  	[tilespmem:$0x260] =	vst v0  }
0x28: {  	[tilespmem:$0x270] =	vst v0  }
0x29: {  	[tilespmem:$0x280] =	vst v0  }
0x2a: {  	[tilespmem:$0x290] =	vst v0  }
0x2b: {  	[tilespmem:$0x2A0] =	vst v0  }
0x2c: {  	[tilespmem:$0x2B0] =	vst v0  }
0x2d: {  	[tilespmem:$0x2C0] =	vst v0  }
0x2e: {  	[tilespmem:$0x2D0] =	vst v0  }
0x2f: {  	[tilespmem:$0x2E0] =	vst v0  }
0x30: {  	[tilespmem:$0x2F0] =	vst v0  }
0x31: {  	[tilespmem:$0x300] =	vst v0  }
0x32: {  	[tilespmem:$0x310] =	vst v0  }
0x33: {  	[tilespmem:$0x320] =	vst v0  }
0x34: {  	[tilespmem:$0x330] =	vst v0  }
0x35: {  	[tilespmem:$0x340] =	vst v0  }
0x36: {  	[tilespmem:$0x350] =	vst v0  }
0x37: {  	[tilespmem:$0x360] =	vst v0  }
0x38: {  	[tilespmem:$0x370] =	vst v0  }
0x39: {  	[spmem:s4] =	stream.linear.scatter [tilespmem:s9], [sflag:$0x1], $0x280, $0x38;
	[tilespmem:$0x600] =	vst v63  }
0x3a: {  	_ =	swait.ge [sflag:s10], $0x280  }
0x3b: {  	[sflag:s10] =	ssyncset.done $0x0  }
0x3c: {  	[sflag:s10] =	ssyncadd.s32 $0xFFFFFD80  }
0x3d: {  	s18 =	sadd.s32 $0x0, s8;
	[bflag:$0x0] =	sbarrier.arrive $0xFFFF  }
0x3e: {  	[tilespmem:s3], [sflag:$0x1] =	stream.linear.gather [hbm4b:s18+s3], $0x50, $0x38;
	[tilespmem:$0x600] =	vst v63  }
0x3f: {  	_ =	swait.ge [sflag:s10], $0x50  }
0x40: {  	[sflag:s10] =	ssyncset.done $0x0  }
0x41: {  	s31 =	sadd.s32 $0x0, s7;
	[sflag:s10] =	ssyncadd.s32 $0xFFFFFFB0  }
0x42: {  	[tilespmem:s11], [sflag:$0x1] =	stream.linear.gather [hbm4b:s31+s3], $0x50, $0x38;
	[tilespmem:$0x600] =	vst v63  }
0x43: {  	_ =	swait.ge [sflag:s10], $0x50  }
0x44: {  	[sflag:s10] =	ssyncset.done $0x0  }
0x45: {  	[sflag:s10] =	ssyncadd.s32 $0xFFFFFFB0  }
0x46: {  	[spmem:s2] =	stream.indirect.scatter.add.f32 [tilespmem:s11], [sflag:$0x1], $0x1, s3, s12, $0xb8;
	[tilespmem:$0x600] =	vst v63  }
0x47: {  	_ =	swait.ge [sflag:s10], $0x50  }
0x48: {  	s19 =	simm.s32 $0x14;
	s18 =	simm.s32 $0xA;
	[sflag:s10] =	ssyncset.done $0x0  }
.LBB2_2:
0x49: {  	s20 =	sadd.s32 s18, s8  }
0x4a: {  	[sflag:s10] =	ssyncadd.s32 $0xFFFFFFB0;
	s21 =	smov.u32 s19;
	s22 =	sadd.s32 $0xA, s19  }
0x4b: {  	[tilespmem:s3], [sflag:$0x1] =	stream.linear.gather [hbm4b:s20+s3], $0x50, $0x38;
	[tilespmem:$0x600] =	vst v63  }
0x4c: {  	p0 =	sne.s32 s19, $0x4D8;
	_ =	swait.ge [sflag:s10], $0x50  }
0x4d: {  	[sflag:s10] =	ssyncset.done $0x0  }
0x4e: {  	s19 =	sadd.s32 s18, s7;
	s18 =	smov.u32 s21;
	[sflag:s10] =	ssyncadd.s32 $0xFFFFFFB0  }
0x4f: {  	[tilespmem:s11], [sflag:$0x1] =	stream.linear.gather [hbm4b:s19+s3], $0x50, $0x38;
	[tilespmem:$0x600] =	vst v63  }
0x50: {  	_ =	swait.ge [sflag:s10], $0x50  }
.Ltmp0:
0x51: {  	[sflag:s10] =	ssyncset.done $0x0;
	(pc) =	sbr.rel @p0 .LBB2_2-.Ltmp0, $4  }
0x52: {  	[sflag:s10] =	ssyncadd.s32 $0xFFFFFFB0  }
0x53: {  	[spmem:s2] =	stream.indirect.scatter.add.f32 [tilespmem:s11], [sflag:$0x1], $0x1, s3, s12, $0xb8;
	[tilespmem:$0x600] =	vst v63  }
0x54: {  	_ =	swait.ge [sflag:s10], $0x50  }
0x55: {  	s19 =	smov.u32 s22;
	[sflag:s10] =	ssyncset.done $0x0  }
0x56: {  	s19 =	sadd.s32 s18, s8;
	[sflag:s10] =	ssyncadd.s32 $0xFFFFFFB0  }
0x57: {  	[tilespmem:s3], [sflag:$0x1] =	stream.linear.gather [hbm4b:s19+s3], $0x50, $0x38;
	[tilespmem:$0x600] =	vst v63  }
0x58: {  	_ =	swait.ge [sflag:s10], $0x50  }
0x59: {  	[sflag:s10] =	ssyncset.done $0x0  }
0x5a: {  	s31 =	sadd.s32 s18, s7;
	[sflag:s10] =	ssyncadd.s32 $0xFFFFFFB0  }
0x5b: {  	[tilespmem:s11], [sflag:$0x1] =	stream.linear.gather [hbm4b:s31+s3], $0x50, $0x38;
	[tilespmem:$0x600] =	vst v63  }
0x5c: {  	_ =	swait.ge [sflag:s10], $0x50  }
0x5d: {  	[sflag:s10] =	ssyncset.done $0x0  }
0x5e: {  	[sflag:s10] =	ssyncadd.s32 $0xFFFFFFB0  }
0x5f: {  	[spmem:s2] =	stream.indirect.scatter.add.f32 [tilespmem:s11], [sflag:$0x1], $0x1, s3, s12, $0xb8;
	[tilespmem:$0x600] =	vst v63  }
0x60: {  	_ =	swait.ge [sflag:s10], $0x50  }
0x61: {  	s17 =	sadd.s32 $0x1, s17;
	[sflag:s10] =	ssyncset.done $0x0  }
0x62: {  	p0 =	sne.s32 s17, s6;
	[sflag:s10] =	ssyncadd.s32 $0xFFFFFFB0  }
.Ltmp1:
0x63: {  	[bflag:$0x0] =	sbarrier.arrive $0xFFFF;
	(pc) =	sbr.rel @p0 .LBB2_1-.Ltmp1, $4  }
0x64: {  	[hbm:s5@s15], [sflag:s13] =	dma.strided [spmem:s14@s16], $0x50, s10, $0x10   }
0x65: {  	_ =	swait.ge [sflag:s10], $0x50  }
0x66: {  	[sflag:s10] =	ssyncset.done $0x0  }
0x67: {  	[sflag:s10] =	ssyncadd.s32 $0xFFFFFFB0  }
0x68: {  	_ =	sfence.sel $0x180000  }
0x69: {  	[bflag:$0x0] =	sbarrier.arrive $0xFFFF  }
0x6a: {  	p0 =	sne.s32 s1, $0x0;
	_ =	strace $0x90000047  }
0x6b: {  	s0 =	sadd.s32 @!p0 $0x100000, s0;
	[bflag:$0x2] =	sbarrier.arrive $0xFFFF  }
0x6c: {  	[sflag:s0] =	ssyncadd.tile.s32 @!p0 $0x1;
	_ =	shalt  }
.Lfunc_end2:
_tile_overlayer_lowered:
.L_overlay_start_2:
0x6d: {  	(tag) =	ssettag $0x2  }
0x6e: {  	s0 =	rddreg [dreg:$0x0];
	s2 =	stileid.u32  }
0x6f: {  	s1 =	rddreg [dreg:$0x1];
	p0 =	sne.s32 s2, $0x0  }
0x70: {  	s3 =	rddreg [dreg:$0x2];
	[bflag:$0x3] =	sbarrier.arrive $0xFFFF;
	s2 =	simm.s32 @!p0 $0x1C01  }
0x71: {  	[timem:s3], [sflag:s2] =	dma.local @!p0 [hbm:s0], s1  }
0x72: {  	s0 =	simm.s32 @!p0 $0x1  }
0x73: {  	_ =	swait.ge @!p0 [sflag:s0], s1  }
0x74: {  	s1 =	ssub.s32 @!p0 $0x0, s1;
	[sflag:s0] =	ssyncset.done @!p0 $0x0  }
0x75: {  	[sflag:s0] =	ssyncadd.s32 @!p0 s1  }
0x76: {  	[bflag:$0x3] =	sbarrier.arrive $0xFFFF  }
0x77: {  	_ =	shalt  }

</sc_bundles>
